<compile_context>
chip_gen: v7x
topology: tpu7x:2x2x1
jax: 0.10.2.dev20260603
libtpu: 0.0.44.dev20260713+nightly
codegen_flags: <defaults>
</compile_context>

<pallas_src>
import functools

import jax
import jax.numpy as jnp
import numpy as _np
from jax import lax
from jax.experimental import pallas as pl
from jax.experimental.pallas import tpu as pltpu
from jax.experimental.pallas import tpu_sc as plsc

_L = 16


@functools.lru_cache(maxsize=None)
def _build_sc(n_idx: int, num_emb: int, emb_dim: int):
    info = plsc.get_sparse_core_info()
    nw = info.num_cores * info.num_subcores
    assert n_idx % nw == 0
    per_w = n_idx // nw
    ch = 12800
    while per_w % ch:
        ch //= 2
    ch = min(ch, per_w)
    n_ch = per_w // ch
    d = emb_dim
    ipg = _L // d

    mesh = plsc.VectorSubcoreMesh(core_axis_name="c", subcore_axis_name="s")

    @functools.partial(
        pl.kernel,
        mesh=mesh,
        compiler_params=pltpu.CompilerParams(needs_layout_passes=False),
        out_type=jax.ShapeDtypeStruct((n_idx * d,), jnp.float32),
        scratch_types=[
            pltpu.VMEM((ch,), jnp.int32),
            pltpu.VMEM((ch,), jnp.int32),
            pltpu.VMEM((ch * d,), jnp.float32),
            pltpu.VMEM((ch * d,), jnp.float32),
            pltpu.VMEM((num_emb, d), jnp.float32),
            pltpu.VMEM((2 * _L,), jnp.int32),
            pltpu.SemaphoreType.DMA,
            pltpu.SemaphoreType.DMA,
            pltpu.SemaphoreType.DMA,
            pltpu.SemaphoreType.DMA,
        ],
    )
    def k(x_hbm, w_hbm, pat_hbm, out_hbm, idx0, idx1, out0, out1, tbl_v,
          pat_v, gs0, gs1, ss0, ss1):
        wid = lax.axis_index("s") * info.num_cores + lax.axis_index("c")
        base = wid * per_w
        idx_b, out_b = (idx0, idx1), (out0, out1)
        gsem, ssem = (gs0, gs1), (ss0, ss1)
        pltpu.sync_copy(w_hbm, tbl_v)
        pltpu.sync_copy(pat_hbm, pat_v)
        div = pat_v[pl.ds(0, _L)]
        mod = pat_v[pl.ds(_L, _L)]

        def gather_in(c):
            off = base + c * ch
            return pltpu.make_async_copy(
                x_hbm.at[pl.ds(off, ch)], idx_b[c % 2], gsem[c % 2])

        def scatter_out(c):
            off = base + c * ch
            return pltpu.make_async_copy(
                out_b[c % 2], out_hbm.at[pl.ds(off * d, ch * d)], ssem[c % 2])

        gather_in(0).start()
        for c in range(n_ch):
            b = c % 2
            if c + 1 < n_ch:
                gather_in(c + 1).start()
            gather_in(c).wait()
            idx_v, out_v = idx_b[b], out_b[b]
            if c >= 2:
                scatter_out(c - 2).wait()

            @plsc.parallel_loop(0, ch // ipg, unroll=8)
            def body(t):
                start = jnp.broadcast_to(t * ipg, (_L,)).astype(jnp.int32)
                rows = plsc.load_gather(idx_v, [lax.add(div, start)])
                vals = plsc.load_gather(tbl_v, [rows, mod])
                out_v[pl.ds(t * _L, _L)] = vals

            scatter_out(c).start()
        if n_ch >= 2:
            scatter_out(n_ch - 2).wait()
        scatter_out(n_ch - 1).wait()

    return k


@functools.lru_cache(maxsize=None)
def _build_tc(n_rows: int, s: int, num_emb: int, emb_dim: int, bb: int):
    w = s * emb_dim

    def body(x_ref, wt_ref, e_ref, o_ref):
        xf = x_ref[...].astype(jnp.float32)
        xe = jnp.dot(xf, e_ref[...], preferred_element_type=jnp.float32)
        w0 = wt_ref[0:1, :]
        w1 = wt_ref[1:2, :]
        w2 = wt_ref[2:3, :]
        o_ref[...] = jnp.where(xe == 0.0, w0, jnp.where(xe == 1.0, w1, w2))

    return pl.pallas_call(
        body,
        grid=(n_rows // bb,),
        in_specs=[
            pl.BlockSpec((bb, s), lambda i: (i, 0)),
            pl.BlockSpec((num_emb, w), lambda i: (0, 0)),
            pl.BlockSpec((s, w), lambda i: (0, 0)),
        ],
        out_specs=pl.BlockSpec((bb, w), lambda i: (i, 0)),
        out_shape=jax.ShapeDtypeStruct((n_rows, w), jnp.float32),
    )


_SC_ROWS = 512


def kernel(x, weight):
    b, s = x.shape
    v, d = weight.shape
    x = x.astype(jnp.int32)
    wtab = jnp.tile(weight, (1, s))
    exp = jnp.asarray(
        _np.repeat(_np.eye(s, dtype=_np.float32), d, axis=1)
    )
    pat = jnp.asarray(
        _np.concatenate([_np.arange(_L) // d, _np.arange(_L) % d]), jnp.int32
    )
    n_tc = b - _SC_ROWS
    sc_out = _build_sc(_SC_ROWS * s, v, d)(
        x[n_tc:].reshape(-1), weight, pat)
    tc_out = _build_tc(n_tc, s, v, d, 1984)(x, wtab, exp)
    return jnp.concatenate(
        [tc_out.reshape(n_tc, s, d), sc_out.reshape(_SC_ROWS, s, d)], axis=0
    )

# --- scband reference (transcript-rebuilt; emitter-appended) ---
"""Pipeline reference for scband-my-model-61933428408990 (READ-ONLY COPY).

The authoritative reference and input builder live on the scoring server;
editing this copy changes nothing except your own understanding.
"""

import jax, jax.numpy as jnp
import numpy as np

NUM_EMBEDDINGS = 3
EMBEDDING_DIM = 4

def setup_inputs(seed: int = 0) -> dict:
    key = jax.random.key(seed)
    k_idx, k_w = jax.random.split(key)
    x = jax.random.randint(k_idx, (16384, 200), 0, NUM_EMBEDDINGS, dtype=jnp.int64 if jax.config.jax_enable_x64 else jnp.int32)
    weight = jax.random.normal(k_w, (NUM_EMBEDDINGS, EMBEDDING_DIM), dtype=jnp.float32)
    return {"x": x, "weight": weight}

def reference(x, weight):
    # nn.Embedding forward: gather rows of the embedding table
    return jnp.take(weight, x, axis=0)

if __name__ == "__main__":
    import jax
    _d = setup_inputs()
    print(jax.jit(kernel)(*tuple(_d.values())))

</pallas_src>

<mosaic_0001>
#map = affine_map<(d0, d1) -> (0)>
#map1 = affine_map<(d0, d1) -> (0, 0)>
module attributes {stable_mosaic.version = 14 : i64} {
  func.func @k(%arg0: i32, %arg1: i32, %arg2: memref<102400xi32, #tpu.memory_space<hbm>>, %arg3: memref<3x4xf32, #tpu.memory_space<hbm>>, %arg4: memref<32xi32, #tpu.memory_space<hbm>>, %arg5: memref<409600xf32, #tpu.memory_space<hbm>>, %arg6: memref<3200xi32, #tpu.memory_space<vmem>>, %arg7: memref<3200xi32, #tpu.memory_space<vmem>>, %arg8: memref<12800xf32, #tpu.memory_space<vmem>>, %arg9: memref<12800xf32, #tpu.memory_space<vmem>>, %arg10: memref<3x4xf32, #tpu.memory_space<vmem>>, %arg11: memref<32xi32, #tpu.memory_space<vmem>>, %arg12: memref<!tpu.dma_semaphore, #tpu.memory_space<semaphore_mem>>, %arg13: memref<!tpu.dma_semaphore, #tpu.memory_space<semaphore_mem>>, %arg14: memref<!tpu.dma_semaphore, #tpu.memory_space<semaphore_mem>>, %arg15: memref<!tpu.dma_semaphore, #tpu.memory_space<semaphore_mem>>) attributes {dimension_semantics = [#tpu.dimension_semantics<core_parallel>, #tpu.dimension_semantics<subcore_parallel>], iteration_bounds = array<i64: 2, 16>, scalar_prefetch = 0 : i64, scratch_operands = 10 : i64, tpu.core_type = #tpu.core_type<sc_vector_subcore>, window_params = [{transform_indices = #map}, {transform_indices = #map1}, {transform_indices = #map}, {transform_indices = #map}]} {
    %mul3A = arith.constant 2 : i32
    %mul3A_0 = arith.muli %arg1, %mul3A : i32
    %add3A = arith.addi %mul3A_0, %arg0 : i32
    %mul3A_1 = arith.constant 3200 : i32
    %mul3A_2 = arith.muli %add3A, %mul3A_1 : i32
    "tpu.region"() ({
      %run_scoped3A = tpu.sem_alloc : memref<!tpu.dma_semaphore, #tpu.memory_space<semaphore_mem>>
      tpu.enqueue_dma source(%arg3 : memref<3x4xf32, #tpu.memory_space<hbm>>) target(%arg10 : memref<3x4xf32, #tpu.memory_space<vmem>>) target_semaphore(%run_scoped3A : memref<!tpu.dma_semaphore, #tpu.memory_space<semaphore_mem>>)
      tpu.wait_dma2 semaphore(%run_scoped3A : memref<!tpu.dma_semaphore, #tpu.memory_space<semaphore_mem>>) src(%arg3 : memref<3x4xf32, #tpu.memory_space<hbm>>) dst(%arg10 : memref<3x4xf32, #tpu.memory_space<vmem>>)
      tpu.yield
    }) : () -> ()
    "tpu.region"() ({
      %run_scoped3A = tpu.sem_alloc : memref<!tpu.dma_semaphore, #tpu.memory_space<semaphore_mem>>
      tpu.enqueue_dma source(%arg4 : memref<32xi32, #tpu.memory_space<hbm>>) target(%arg11 : memref<32xi32, #tpu.memory_space<vmem>>) target_semaphore(%run_scoped3A : memref<!tpu.dma_semaphore, #tpu.memory_space<semaphore_mem>>)
      tpu.wait_dma2 semaphore(%run_scoped3A : memref<!tpu.dma_semaphore, #tpu.memory_space<semaphore_mem>>) src(%arg4 : memref<32xi32, #tpu.memory_space<hbm>>) dst(%arg11 : memref<32xi32, #tpu.memory_space<vmem>>)
      tpu.yield
    }) : () -> ()
    %get3A = arith.constant 0 : index
    %get3A_3 = tpu.vector_load %arg11[%get3A] {strides = array<i32>} : memref<32xi32, #tpu.memory_space<vmem>>, vector<16xi32>,
    %get3A_4 = arith.constant 16 : index
    %get3A_5 = tpu.vector_load %arg11[%get3A_4] {strides = array<i32>} : memref<32xi32, #tpu.memory_space<vmem>>, vector<16xi32>,
    %add3A_6 = arith.constant 0 : i32
    %add3A_7 = arith.addi %mul3A_2, %add3A_6 : i32
    %dma_start3A = tpu.memref_slice %arg2[%add3A_7] : memref<102400xi32, #tpu.memory_space<hbm>> -> memref<3200xi32, #tpu.memory_space<hbm>>
    %dma_start3A_8 = tpu.memref_slice %arg2[%add3A_7] : memref<102400xi32, #tpu.memory_space<hbm>> -> memref<3200xi32, #tpu.memory_space<hbm>>
    tpu.enqueue_dma source(%dma_start3A_8 : memref<3200xi32, #tpu.memory_space<hbm>>) target(%arg6 : memref<3200xi32, #tpu.memory_space<vmem>>) target_semaphore(%arg12 : memref<!tpu.dma_semaphore, #tpu.memory_space<semaphore_mem>>)
    %add3A_9 = arith.constant 0 : i32
    %add3A_10 = arith.addi %mul3A_2, %add3A_9 : i32
    %dma_wait3A = tpu.memref_slice %arg2[%add3A_10] : memref<102400xi32, #tpu.memory_space<hbm>> -> memref<3200xi32, #tpu.memory_space<hbm>>
    %dma_wait3A_11 = tpu.memref_slice %arg2[%add3A_10] : memref<102400xi32, #tpu.memory_space<hbm>> -> memref<3200xi32, #tpu.memory_space<hbm>>
    tpu.wait_dma2 semaphore(%arg12 : memref<!tpu.dma_semaphore, #tpu.memory_space<semaphore_mem>>) src(%dma_wait3A_11 : memref<3200xi32, #tpu.memory_space<hbm>>) dst(%arg6 : memref<3200xi32, #tpu.memory_space<vmem>>)
    %parallel_loop3A = arith.constant 0 : i32
    %parallel_loop3A_12 = arith.constant 800 : i32
    %parallel_loop3A_13 = arith.constant 1 : i32
    scf.for %parallel_loop3A_26 = %parallel_loop3A to %parallel_loop3A_12 step %parallel_loop3A_13  : i32 {
      %parallel_loop3A_27 = arith.constant 4 : i32
      %parallel_loop3A_28 = arith.muli %parallel_loop3A_26, %parallel_loop3A_27 : i32
      %parallel_loop3A_29 = vector.broadcast %parallel_loop3A_28 : i32 to vector<16xi32>
      %parallel_loop3A_30 = arith.addi %get3A_3, %parallel_loop3A_29 : vector<16xi32>
      %parallel_loop3A_31 = tpu.vector_load_idx %arg6[%parallel_loop3A_30] : memref<3200xi32, #tpu.memory_space<vmem>>[vector<16xi32>], vector<16xi32>,
      %parallel_loop3A_32 = tpu.vector_load_idx %arg10[%parallel_loop3A_31, %get3A_5] : memref<3x4xf32, #tpu.memory_space<vmem>>[vector<16xi32>, vector<16xi32>], vector<16xf32>,
      %parallel_loop3A_33 = arith.constant 16 : i32
      %parallel_loop3A_34 = arith.muli %parallel_loop3A_26, %parallel_loop3A_33 : i32
      %parallel_loop3A_35 = arith.index_cast %parallel_loop3A_34 : i32 to index
      %parallel_loop3A_36 = tpu.vector_load %arg8[%parallel_loop3A_35] {strides = array<i32>} : memref<12800xf32, #tpu.memory_space<vmem>>, vector<16xf32>,
      tpu.vector_store %arg8[%parallel_loop3A_35], %parallel_loop3A_32 {strides = array<i32>} : memref<12800xf32, #tpu.memory_space<vmem>>, vector<16xf32>,
    } {sc.loop_unroll_factor = 8 : i64, sc.parallel_access}
    %add3A_14 = arith.constant 0 : i32
    %add3A_15 = arith.addi %mul3A_2, %add3A_14 : i32
    %mul3A_16 = arith.constant 4 : i32
    %mul3A_17 = arith.muli %add3A_15, %mul3A_16 : i32
    %dma_start3A_18 = tpu.memref_slice %arg5[%mul3A_17] : memref<409600xf32, #tpu.memory_space<hbm>> -> memref<12800xf32, #tpu.memory_space<hbm>>
    %dma_start3A_19 = tpu.memref_slice %arg5[%mul3A_17] : memref<409600xf32, #tpu.memory_space<hbm>> -> memref<12800xf32, #tpu.memory_space<hbm>>
    tpu.enqueue_dma source(%arg8 : memref<12800xf32, #tpu.memory_space<vmem>>) target(%dma_start3A_19 : memref<12800xf32, #tpu.memory_space<hbm>>) target_semaphore(%arg14 : memref<!tpu.dma_semaphore, #tpu.memory_space<semaphore_mem>>)
    %add3A_20 = arith.constant 0 : i32
    %add3A_21 = arith.addi %mul3A_2, %add3A_20 : i32
    %mul3A_22 = arith.constant 4 : i32
    %mul3A_23 = arith.muli %add3A_21, %mul3A_22 : i32
    %dma_wait3A_24 = tpu.memref_slice %arg5[%mul3A_23] : memref<409600xf32, #tpu.memory_space<hbm>> -> memref<12800xf32, #tpu.memory_space<hbm>>
    %dma_wait3A_25 = tpu.memref_slice %arg5[%mul3A_23] : memref<409600xf32, #tpu.memory_space<hbm>> -> memref<12800xf32, #tpu.memory_space<hbm>>
    tpu.wait_dma2 semaphore(%arg14 : memref<!tpu.dma_semaphore, #tpu.memory_space<semaphore_mem>>) src(%arg8 : memref<12800xf32, #tpu.memory_space<vmem>>) dst(%dma_wait3A_25 : memref<12800xf32, #tpu.memory_space<hbm>>)
    return
  }
}

module attributes {stable_mosaic.version = 14 : i64} {
  func.func @body(%arg0: i32, %arg1: memref<1984x200xi32, #tpu.memory_space<vmem>>, %arg2: memref<3x800xf32, #tpu.memory_space<vmem>>, %arg3: memref<200x800xf32, #tpu.memory_space<vmem>>, %arg4: memref<1984x800xf32, #tpu.memory_space<vmem>>) attributes {dimension_semantics = [#tpu.dimension_semantics<arbitrary>], iteration_bounds = array<i64: 8>, scalar_prefetch = 0 : i64, scratch_operands = 0 : i64, tpu.core_type = #tpu.core_type<tc>, window_params = [{transform_indices = @transform_0, window_bounds = array<i64: 1984, 200>}, {pipeline_mode = #tpu.pipeline_mode<synchronous>, transform_indices = @transform_1, window_bounds = array<i64: 3, 800>}, {pipeline_mode = #tpu.pipeline_mode<synchronous>, transform_indices = @transform_2, window_bounds = array<i64: 200, 800>}, {transform_indices = @transform_3, window_bounds = array<i64: 1984, 800>}]} {
    %get3A = arith.constant 0 : index
    %get3A_0 = arith.constant 0 : index
    %get3A_1 = vector.load %arg1[%get3A, %get3A_0] : memref<1984x200xi32, #tpu.memory_space<vmem>>, vector<1984x200xi32>
    %convert_element_type3A = arith.sitofp %get3A_1 : vector<1984x200xi32> to vector<1984x200xf32>
    %get3A_2 = arith.constant 0 : index
    %get3A_3 = arith.constant 0 : index
    %get3A_4 = vector.load %arg3[%get3A_2, %get3A_3] : memref<200x800xf32, #tpu.memory_space<vmem>>, vector<200x800xf32>
    %dot_general3A = arith.constant dense<0.000000e+00> : vector<1984x800xf32>
    %dot_general3A_5 = tpu.matmul %convert_element_type3A, %get3A_4, %dot_general3A {dimension_numbers = #tpu.dot_dimension_numbers<[1], [0], [0], [1], [0, 0, 1, 1], [], []>, transpose_lhs_hint = false} : vector<1984x200xf32>, vector<200x800xf32>, vector<1984x800xf32> -> vector<1984x800xf32>
    %get3A_6 = arith.constant 0 : index
    %get3A_7 = arith.constant 0 : index
    %get3A_8 = vector.load %arg2[%get3A_6, %get3A_7] : memref<3x800xf32, #tpu.memory_space<vmem>>, vector<1x800xf32>
    %get3A_9 = arith.constant 1 : index
    %get3A_10 = arith.constant 0 : index
    %get3A_11 = vector.load %arg2[%get3A_9, %get3A_10] : memref<3x800xf32, #tpu.memory_space<vmem>>, vector<1x800xf32>
    %get3A_12 = arith.constant 2 : index
    %get3A_13 = arith.constant 0 : index
    %get3A_14 = vector.load %arg2[%get3A_12, %get3A_13] : memref<3x800xf32, #tpu.memory_space<vmem>>, vector<1x800xf32>
    %eq3A = arith.constant 0.000000e+00 : f32
    %eq3A_15 = vector.broadcast %eq3A : f32 to vector<1984x800xf32>
    %eq3A_16 = arith.cmpf oeq, %dot_general3A_5, %eq3A_15 : vector<1984x800xf32>
    %eq3A_17 = arith.constant 1.000000e+00 : f32
    %eq3A_18 = vector.broadcast %eq3A_17 : f32 to vector<1984x800xf32>
    %eq3A_19 = arith.cmpf oeq, %dot_general3A_5, %eq3A_18 : vector<1984x800xf32>
    %broadcast_in_dim3A = vector.shape_cast %get3A_11 : vector<1x800xf32> to vector<1x800xf32>
    %broadcast_in_dim3A_20 = vector.broadcast %broadcast_in_dim3A : vector<1x800xf32> to vector<1984x800xf32>
    %broadcast_in_dim3A_21 = vector.shape_cast %get3A_14 : vector<1x800xf32> to vector<1x800xf32>
    %broadcast_in_dim3A_22 = vector.broadcast %broadcast_in_dim3A_21 : vector<1x800xf32> to vector<1984x800xf32>
    %select_n3A = arith.select %eq3A_19, %broadcast_in_dim3A_20, %broadcast_in_dim3A_22 : vector<1984x800xi1>, vector<1984x800xf32>
    %broadcast_in_dim3A_23 = vector.shape_cast %get3A_8 : vector<1x800xf32> to vector<1x800xf32>
    %broadcast_in_dim3A_24 = vector.broadcast %broadcast_in_dim3A_23 : vector<1x800xf32> to vector<1984x800xf32>
    %select_n3A_25 = arith.select %eq3A_16, %broadcast_in_dim3A_24, %select_n3A : vector<1984x800xi1>, vector<1984x800xf32>
    %swap3A = arith.constant 0 : index
    %swap3A_26 = arith.constant 0 : index
    %swap3A_27 = vector.load %arg4[%swap3A, %swap3A_26] : memref<1984x800xf32, #tpu.memory_space<vmem>>, vector<1984x800xf32>
    tpu.vector_store %arg4[%swap3A, %swap3A_26], %select_n3A_25 {strides = array<i32>} : memref<1984x800xf32, #tpu.memory_space<vmem>>, vector<1984x800xf32>,
    return
  }
  func.func @transform_0(%arg0: i32) -> (i32, i32) {
    %c0_i32 = arith.constant 0 : i32
    %c0_i32_0 = arith.constant 0 : i32
    return %arg0, %c0_i32 : i32, i32
  }
  func.func @transform_1(%arg0: i32) -> (i32, i32) {
    %c0_i32 = arith.constant 0 : i32
    %c0_i32_0 = arith.constant 0 : i32
    %c0_i32_1 = arith.constant 0 : i32
    return %c0_i32, %c0_i32_0 : i32, i32
  }
  func.func @transform_2(%arg0: i32) -> (i32, i32) {
    %c0_i32 = arith.constant 0 : i32
    %c0_i32_0 = arith.constant 0 : i32
    %c0_i32_1 = arith.constant 0 : i32
    return %c0_i32, %c0_i32_0 : i32, i32
  }
  func.func @transform_3(%arg0: i32) -> (i32, i32) {
    %c0_i32 = arith.constant 0 : i32
    %c0_i32_0 = arith.constant 0 : i32
    return %arg0, %c0_i32 : i32, i32
  }
}

</mosaic_0001>

<sc_bundles>
// kernel: kernel.4.cloned.1.call-start
scs
__scs_entry_jumppad:
0x0: {  	(pc) =	sbr.rel $0x88, $3  }
0x1: {  	(tag) =	ssettag $0x0;
	lr =	simm.s32 $0x1  }
0x2: {  	[smem:$0x3F9F] =	sst lr;
	_ =	strace $0xD0000000  }
0x3: {  	_ = 	snop  }
0x4: {  	_ = 	snop  }
0x5: {  	_ = 	snop  }
0x6: {  	_ = 	snop  }
0x7: {  	_ = 	snop  }
__scs_overlays_trampoline_lowered:
0x8: {  	[smem:$0x3FAE] =	sst s0  }
0x9: {  	[smem:$0x3FAF] =	sst s1  }
0xa: {  	[smem:$0x3FB0] =	sst s2  }
0xb: {  	[smem:$0x3FB1] =	sst s3  }
0xc: {  	[smem:$0x3FB2] =	sst s4  }
0xd: {  	[smem:$0x3FB3] =	sst s5  }
0xe: {  	[smem:$0x3FB4] =	sst s6  }
0xf: {  	[smem:$0x3FB5] =	sst s7  }
0x10: {  	[smem:$0x3FB6] =	sst s8  }
0x11: {  	[smem:$0x3FB7] =	sst s9;
	s0 =	simm.s32 @!p0 $0x0  }
0x12: {  	s1 =	sld [smem:$0x3F9D];
	s0 =	simm.s32 @p0 $0x1  }
0x13: {  	[smem:$0x3FB8] =	sst s0;
	s0 =	simm.s32 @!p1 $0x0  }
0x14: {  	s2 =	sld [smem:$0x3F9C];
	s0 =	simm.s32 @p1 $0x1  }
0x15: {  	[smem:$0x3FB9] =	sst s0;
	s0 =	simm.s32 @!p2 $0x0  }
0x16: {  	s3 =	sld [smem:$0x3FDB];
	s0 =	simm.s32 @p2 $0x1  }
0x17: {  	s4 =	simm.s32 $0x1BF5;
	[smem:$0x3FBB] =	sst s0  }
0x18: {  	s0 =	sld [smem:$0x3F9E];
	_ =	swait.ge [sflag:s4], $0x0  }
0x19: {  	s7 =	sld [smem:$0x3F9F]  }
0x1a: {  	s8 =	sadd.s32 $0xFFFFE003, lr  }
0x1b: {  	s9 =	sadd.s32 $0xFFFFFEF7, lr;
	s5 =	simm.s32 $0xFFFFFFFF;
	p2 =	slt.u32 s8, $0xFFFFF086  }
0x1c: {  	p1 =	slt.u32 s9, $0xF7A;
	s5 =	simm.s32 @!p2 $0x0  }
0x1d: {  	s5 =	simm.s32 @p1 $0x1;
	p0 =	seq.s32 s7, s2  }
0x1e: {  	s7 =	smul.u32 @!p0 $0xF7A, s2;
	p2 =	seq.s32 @!p0 s5, $0x0  }
0x1f: {  	s9 =	smul.u32 $0xF7A, s1;
	s8 =	simm.s32 @!p0 $0x1BF5;
	p2 =	por !p2, p0  }
0x20: {  	[sflag:s8] =	ssyncset.s32 @!p0 $0xFFFFF086;
	s6 =	sadd.s32 @!p0 s3, s7;
	s7 =	simm.s32 @!p0 $0x108  }
0x21: {  	s3 =	sadd.s32 s3, s9;
	s6 =	sadd.s32 @!p0 $0x88, s6;
	s7 =	simm.s32 @p2 $0x1082  }
0x22: {  	[simem:s7], [sflag:s8] =	dma.local @!p0 [hbm:s6], $0xF7A  }
0x23: {  	s9 =	sor.u32 $0xD0000000, s2;
	s6 =	simm.s32 $0x108;
	_ =	swait.ge @!p0 [sflag:s8], $0x0  }
0x24: {  	s3 =	sadd.s32 $0x88, s3;
	s6 =	simm.s32 @!p1 $0x1082;
	[sflag:s4] =	ssyncset.s32 $0xFFFFF086  }
0x25: {  	[simem:s6], [sflag:s4] =	dma.local [hbm:s3], $0xF7A  }
0x26: {  	[smem:$0x3F9F] =	sst s1;
	(tag) =	ssettag s2;
	_ =	strace s9  }
0x27: {  	s1 =	sld [smem:$0x3FAF]  }
0x28: {  	s2 =	sld [smem:$0x3FB0]  }
0x29: {  	s4 =	sld [smem:$0x3FB2]  }
0x2a: {  	p0 =	seq.s32 s5, $0x0;
	s5 =	sld [smem:$0x3FB3]  }
0x2b: {  	s6 =	sld [smem:$0x3FB4]  }
0x2c: {  	s7 =	sld [smem:$0x3FB5]  }
0x2d: {  	s3 =	simm.s32 $0x108;
	s8 =	sld [smem:$0x3FB6]  }
0x2e: {  	s3 =	simm.s32 @!p0 $0x1082;
	s9 =	sld [smem:$0x3FB7]  }
0x2f: {  	lr =	sadd.s32 s0, s3;
	s0 =	sld [smem:$0x3FAE]  }
0x30: {  	s3 =	sld [smem:$0x3FB1]  }
0x31: {  	[smem:$0x3FBA] =	sst s10  }
0x32: {  	s10 =	sld [smem:$0x3FB8];
	_ =	sdelay $0x3  }
0x33: {  	p0 =	seq.s32 s10, $0x1;
	s10 =	sld [smem:$0x3FBA];
	_ =	sdelay $0x3  }
0x34: {  	[smem:$0x3FBA] =	sst s10  }
0x35: {  	s10 =	sld [smem:$0x3FB9];
	_ =	sdelay $0x3  }
0x36: {  	p1 =	seq.s32 s10, $0x1;
	s10 =	sld [smem:$0x3FBA];
	_ =	sdelay $0x3  }
0x37: {  	[smem:$0x3FBA] =	sst s10  }
0x38: {  	s10 =	sld [smem:$0x3FBB]  }
0x39: {  	_ = 	snop;
	(pc) =	sbr.ind lr, $3  }
0x3a: {  	_ = 	snop  }
0x3b: {  	_ = 	snop  }
0x3c: {  	p2 =	seq.s32 s10, $0x1;
	s10 =	sld [smem:$0x3FBA]  }
0x3d: {  	_ =	shalt  }
0x3e: {  	_ =	shalt  }
0x3f: {  	_ =	shalt  }
0x40: {  	_ =	shalt  }
0x41: {  	_ =	shalt  }
0x42: {  	_ =	shalt  }
0x43: {  	_ =	shalt  }
0x44: {  	_ =	shalt  }
0x45: {  	_ =	shalt  }
0x46: {  	_ =	shalt  }
0x47: {  	_ =	shalt  }
0x48: {  	_ =	shalt  }
0x49: {  	_ =	shalt  }
0x4a: {  	_ =	shalt  }
0x4b: {  	_ =	shalt  }
0x4c: {  	_ =	shalt  }
0x4d: {  	_ =	shalt  }
0x4e: {  	_ =	shalt  }
0x4f: {  	_ =	shalt  }
0x50: {  	_ =	shalt  }
0x51: {  	_ =	shalt  }
0x52: {  	_ =	shalt  }
0x53: {  	_ =	shalt  }
0x54: {  	_ =	shalt  }
0x55: {  	_ =	shalt  }
0x56: {  	_ =	shalt  }
0x57: {  	_ =	shalt  }
0x58: {  	_ =	shalt  }
0x59: {  	_ =	shalt  }
0x5a: {  	_ =	shalt  }
0x5b: {  	_ =	shalt  }
0x5c: {  	_ =	shalt  }
0x5d: {  	_ =	shalt  }
0x5e: {  	_ =	shalt  }
0x5f: {  	_ =	shalt  }
0x60: {  	_ =	shalt  }
0x61: {  	_ =	shalt  }
0x62: {  	_ =	shalt  }
0x63: {  	_ =	shalt  }
0x64: {  	_ =	shalt  }
0x65: {  	_ =	shalt  }
0x66: {  	_ =	shalt  }
0x67: {  	_ =	shalt  }
0x68: {  	_ =	shalt  }
0x69: {  	_ =	shalt  }
0x6a: {  	_ =	shalt  }
0x6b: {  	_ =	shalt  }
0x6c: {  	_ =	shalt  }
0x6d: {  	_ =	shalt  }
0x6e: {  	_ =	shalt  }
0x6f: {  	_ =	shalt  }
0x70: {  	_ =	shalt  }
0x71: {  	_ =	shalt  }
0x72: {  	_ =	shalt  }
0x73: {  	_ =	shalt  }
0x74: {  	_ =	shalt  }
0x75: {  	_ =	shalt  }
0x76: {  	_ =	shalt  }
0x77: {  	_ =	shalt  }
0x78: {  	_ =	shalt  }
0x79: {  	_ =	shalt  }
0x7a: {  	_ =	shalt  }
0x7b: {  	_ =	shalt  }
0x7c: {  	_ =	shalt  }
0x7d: {  	_ =	shalt  }
0x7e: {  	_ =	shalt  }
0x7f: {  	_ =	shalt  }
0x80: {  	_ =	shalt  }
0x81: {  	_ =	shalt  }
0x82: {  	_ =	shalt  }
0x83: {  	_ =	shalt  }
0x84: {  	_ =	shalt  }
0x85: {  	_ =	shalt  }
0x86: {  	_ =	shalt  }
0x87: {  	_ =	shalt  }
.Lfunc_end0:
.L_simem_size_0:
called_computation_lowered:
.L_overlay_start_0:
0x88: {  	s2 =	sld [smem:$0x3FD9]  }
0x89: {  	s3 =	sld [smem:$0x3FFE];
	_ =	sdelay $0x1  }
0x8a: {  	s1 =	srdreg.scid  }
0x8b: {  	s0 =	sand.u32 $0x1, s1  }
0x8c: {  	s17 =	sshll.u32 s0, $0xA;
	s2 =	sadd.s32 s3, s2  }
0x8d: {  	s2 =	sadd.s32 s2, s17  }
0x8e: {  	[smem:$0x3FC6] =	sst s2  }
0x8f: {  	_ = 	snop  }
0x90: {  	s2 =	sld [smem:$0x3FC8];
	(tm) =	ssettm $0x1  }
0x91: {  	s18 =	sld [smem:$0x3FFB];
	_ =	sdelay $0x3  }
0x92: {  	_ =	strace s18  }
0x93: {  	s3 =	sld [smem:$0x3FFC];
	_ =	sdelay $0x3  }
0x94: {  	_ =	strace s3  }
0x95: {  	s3 =	sld [smem:$0x3FFD];
	_ =	sdelay $0x3  }
0x96: {  	_ =	strace s3  }
0x97: {  	_ =	strace $0x8FFFFFFF  }
0x98: {  	s19 =	sld [smem:$0x3FDB];
	_ =	sdelay $0x1  }
0x99: {  	s4 =	simm.s32 $_scs_section_size  }
0x9a: {  	s5 =	simm.s32 $_size__tile_overlayer_lowered;
	s6 =	simm.s32 $_tile_overlayer_lowered  }
0x9b: {  	s22 =	simm.s32 $0x1BFF;
	s21 =	sshll.u32 s6, $0x1;
	s3 =	sadd.s32 s4, s19  }
0x9c: {  	s7 =	simm.s32 $0x0;
	s20 =	sshll.u32 s5, $0x1;
	s5 =	sadd.s32 s21, s3  }
0x9d: {  	[timem:s7], [sflag:s22] =	dma.local [hbm:s5], s20  }
0x9e: {  	_ =	swait.ge [sflag:s22], s20  }
0x9f: {  	s4 =	ssub.s32 $0x0, s20;
	[sflag:s22] =	ssyncset.done $0x0  }
0xa0: {  	[sflag:s22] =	ssyncadd.s32 s4;
	_ =	sdelay $0x1  }
0xa1: {  	s23 =	simm.s32 $0x1B8B  }
0xa2: {  	_ =	swait.ge [sflag:s23], $0x1  }
0xa3: {  	[sflag:s23] =	ssyncset.done $0x0  }
0xa4: {  	s25 =	simm.s32 $0x1B8E;
	s24 =	sld [smem:$0x3FFE];
	[sflag:s23] =	ssyncadd.s32 $0xFFFFFFFF  }
0xa5: {  	s26 =	simm.s32 $execute0_lowered;
	[smem:$0x3FD2] =	sst s25  }
0xa6: {  	s5 =	sshll.u32 s26, $0x1;
	_ =	strace $0x80000046;
	[dreg:$0x1] =	wrdreg $0xFFFFFFFF  }
0xa7: {  	s28 =	simm.s32 $_size_execute0_lowered;
	s3 =	sadd.s32 s3, s5;
	[dreg:$0x0] =	wrdreg $0x0  }
0xa8: {  	s5 =	sshll.u32 s28, $0x1;
	[dreg:$0x2] =	wrdreg s3  }
0xa9: {  	[dreg:$0x3] =	wrdreg s5  }
0xaa: {  	[dreg:$0x4] =	wrdreg $0xC0  }
0xab: {  	_ =	task [dreg:s7], $0x5FFFF  }
0xac: {  	[dreg:$0x1] =	wrdreg $0xFFFFFFFF  }
0xad: {  	[dreg:$0x0] =	wrdreg $0x60  }
0xae: {  	[dreg:$0x2] =	wrdreg s24  }
0xaf: {  	[dreg:$0x3] =	wrdreg s2  }
0xb0: {  	[dreg:$0x4] =	wrdreg $0x9  }
0xb1: {  	_ =	task.clear_ibuf [dreg:s7], $0x5FFFF;
	_ =	strace $0x90000046  }
0xb2: {  	s29 =	simm.s32 $0x9;
	_ =	strace $0x80000048  }
0xb3: {  	_ =	swait.ge [sflag:s29], $0x1  }
0xb4: {  	[sflag:s29] =	ssyncadd.s32 $0xFFFFFFFF  }
0xb5: {  	_ =	strace $0x90000048  }
0xb6: {  	_ =	sfence  }
0xb7: {  	s30 =	sld [smem:$0x0];
	_ =	sdelay $0x2  }
0xb8: {  	s31 =	sshll.u32 s1, $0xD;
	s1 =	sshrl.u32 s1, $0x2  }
0xb9: {  	s3 =	sand.u32 $0x4000, s31;
	s1 =	sadd.s32 s1, s30  }
0xba: {  	s0 =	sor.u32 s3, s0;
	s1 =	sshll.u32 s1, $0x11  }
0xbb: {  	s0 =	sor.u32 s1, s0  }
0xbc: {  	s0 =	sadd.s32 $0x8F2B, s0  }
0xbd: {  	[sflag:s0] =	ssyncadd.remote.s32 $0x1  }
0xbe: {  	_ =	sfence.sel $0xFFFF  }
0xbf: {  	[dreg:$0x0] =	wrdreg $0xFFFFFFFF;
	(pc) =	sbr.abs _section_cstart, $3  }
0xc0: {  	[dreg:$0x1] =	wrdreg $0xFFFFFFFF  }
0xc1: {  	_ =	task.clear_ibuf [dreg:s7], $0x2FFFF;
	_ =	strace $0x9FFFFFFF  }
0xc2: {  	(tm) =	ssettm $0x7FFFFFFF  }
0xc3: {  	_ =	shalt  }
tec
execute0_lowered:
.L_overlay_start_1:
0x0: {  	(tag) =	ssettag $0x1  }
0x1: {  	s5 =	rddreg [dreg:$0x0];
	s1 =	srdreg.scid  }
0x2: {  	s0 =	stileid.u32;
	s2 =	rddreg [dreg:$0x1];
	s3 =	simm.s32 $0x0  }
0x3: {  	s10 =	simm.s32 $0x4080;
	s11 =	simm.s32 $0x1;
	s12 =	simm.s32 $0xC80  }
0x4: {  	s13 =	simm.s32 $0x2;
	s4 =	sand.u32 $0x1, s1;
	s6 =	sshll.u32 s0, $0x1  }
0x5: {  	s14 =	simm.s32 $0x0;
	s1 =	rddreg [dreg:$0x2];
	s6 =	sor.u32 s4, s6  }
0x6: {  	[smem:$0x7FF] =	sst s3;
	s8 =	ssub.s32 $0x2, s4;
	s7 =	smul.u32 $0x190, s6  }
0x7: {  	_ =	strace $0x80000047;
	s6 =	smul.u32 $0x640, s6;
	s9 =	sshrl.u32 s8, $0x1  }
0x8: {  	s4 =	sadd.s32 $0x3800, s5;
	s8 =	ssub.s32 s8, s9;
	s7 =	sadd.s32 s7, s5  }
0x9: {  	s9 =	simm.s32 $0x3;
	s6 =	sadd.s32 s6, s5;
	s5 =	sadd.s32 $0x600, s7  }
0xa: {  	s6 =	sadd.s32 $0x3A00, s6;
	s7 =	smax.u32 s8, $0x1;
	s8 =	simm.s32 $0x3E80  }
.LBB2_1:
0xb: {  	[tilespmem:s8], [sflag:$0x3] =	stream.linear.gather [hbm4b:s2+s3], $0x180, $0x38;
	[tilespmem:$0x4100] =	vst v63  }
0xc: {  	_ =	swait.ge [sflag:s9], $0x180  }
0xd: {  	[sflag:s9] =	ssyncset.done $0x0  }
0xe: {  	[sflag:s9] =	ssyncadd.s32 $0xFFFFFE80  }
0xf: {  	[tilespmem:s10], [sflag:$0x3] =	stream.linear.gather [hbm4b:s4+s3], $0x80, $0x38;
	[tilespmem:$0x4100] =	vst v63  }
0x10: {  	_ =	swait.ge [sflag:s9], $0x80  }
0x11: {  	[sflag:s9] =	ssyncset.done $0x0  }
0x12: {  	[sflag:s9] =	ssyncadd.s32 $0xFFFFFF80  }
0x13: {  	v1 =	vld [tilespmem:$0x4080];
	_ =	sdelay $0x3  }
0x14: {  	v0 =	vld [tilespmem:$0x4090];
	[tilespmem:s3], [sflag:$0x1] =	stream.linear.gather [hbm4b:s5+s3], $0xC80, $0x38  }
0x15: {  	_ =	swait.ge [sflag:s11], $0xC80  }
0x16: {  	[sflag:s11] =	ssyncset.done $0x0  }
0x17: {  	s15 =	simm.s32 $0x1C;
	[sflag:s11] =	ssyncadd.s32 $0xFFFFF380  }
0x18: {  	v2 =	vadd.s32 $0x20, v1;
	v5 =	vadd.s32 s15, v1;
	v3 =	vld.idx.msk [tilespmem:v1+s3+$0x0], $0xffff  }
0x19: {  	s16 =	simm.s32 $0x4;
	v4 =	vadd.s32 s3, v2  }
0x1a: {  	s30 =	simm.s32 $0x8;
	v6 =	vadd.s32 s16, v1  }
0x1b: {  	s20 =	simm.s32 $0x3C;
	v7 =	vadd.s32 s30, v1  }
0x1c: {  	s21 =	simm.s32 $0x24;
	v13 =	vadd.s32 s20, v1  }
0x1d: {  	v14 =	vadd.s32 s21, v1;
	v5 =	vld.idx.msk [tilespmem:v5+s3+$0x0], $0xffff;
	v3 =	vshll.u32 v3, $0x7  }
0x1e: {  	s31 =	simm.s32 $0xC;
	v4 =	vld.idx.msk [tilespmem:v4+s3+$0x0], $0xffff;
	v3 =	vadd.s32 v0, v3  }
0x1f: {  	v8 =	vadd.s32 s31, v1;
	s16 =	simm.s32 $0x10;
	v6 =	vld.idx.msk [tilespmem:v6+s3+$0x0], $0xffff  }
0x20: {  	s17 =	simm.s32 $0x14;
	v9 =	vadd.s32 s16, v1;
	v7 =	vld.idx.msk [tilespmem:v7+s3+$0x0], $0xffff  }
0x21: {  	s18 =	simm.s32 $0x18;
	v10 =	vadd.s32 s17, v1;
	v13 =	vld.idx.msk [tilespmem:v13+s3+$0x0], $0xffff  }
0x22: {  	s22 =	simm.s32 $0x28;
	v11 =	vadd.s32 s18, v1;
	v14 =	vld.idx.msk [tilespmem:v14+s3+$0x0], $0xffff  }
0x23: {  	s23 =	simm.s32 $0x2C;
	v15 =	vadd.s32 s22, v1;
	v4 =	vshll.u32 v4, $0x7;
	v12 =	vld.idx.msk [tilespmem:v3+s8+$0x0], $0xffff  }
0x24: {  	s26 =	simm.s32 $0x38;
	v16 =	vadd.s32 s23, v1;
	v3 =	vadd.s32 v0, v4;
	v4 =	vshll.u32 v5, $0x7;
	v5 =	vld.idx.msk [tilespmem:v8+s3+$0x0], $0xffff  }
0x25: {  	v19 =	vadd.s32 s26, v1;
	v7 =	vshll.u32 v7, $0x7;
	v8 =	vld.idx.msk [tilespmem:v9+s3+$0x0], $0xffff  }
0x26: {  	s19 =	simm.s32 $0x20;
	v7 =	vadd.s32 v0, v7;
	v9 =	vld.idx.msk [tilespmem:v10+s3+$0x0], $0xffff  }
0x27: {  	v6 =	vshll.u32 v6, $0x7;
	v10 =	vld.idx.msk [tilespmem:v11+s3+$0x0], $0xffff;
	v11 =	vadd.s32 s19, v2  }
0x28: {  	v15 =	vld.idx.msk [tilespmem:v15+s3+$0x0], $0xffff;
	v6 =	vadd.s32 v0, v6  }
0x29: {  	v16 =	vld.idx.msk [tilespmem:v16+s3+$0x0], $0xffff  }
0x2a: {  	s24 =	simm.s32 $0x30;
	v23 =	vld.idx.msk [tilespmem:v19+s3+$0x0], $0xffff;
	v4 =	vadd.s32 v0, v4  }
0x2b: {  	s25 =	simm.s32 $0x34;
	v17 =	vld.idx.msk [tilespmem:v7+s8+$0x0], $0xffff;
	v7 =	vadd.s32 s24, v1  }
0x2c: {  	v18 =	vadd.s32 s25, v1;
	v11 =	vld.idx.msk [tilespmem:v11+s3+$0x0], $0xffff;
	v8 =	vshll.u32 v8, $0x7  }
0x2d: {  	v6 =	vld.idx.msk [tilespmem:v6+s8+$0x0], $0xffff;
	v5 =	vshll.u32 v5, $0x7;
	v8 =	vadd.s32 v0, v8  }
0x2e: {  	v3 =	vld.idx.msk [tilespmem:v3+s8+$0x0], $0xffff;
	v9 =	vshll.u32 v9, $0x7;
	v5 =	vadd.s32 v0, v5  }
0x2f: {  	v10 =	vshll.u32 v10, $0x7;
	v4 =	vld.idx.msk [tilespmem:v4+s8+$0x0], $0xffff;
	v9 =	vadd.s32 v0, v9  }
0x30: {  	v21 =	vadd.s32 v0, v10;
	v10 =	vshll.u32 v14, $0x7;
	v20 =	vld.idx.msk [tilespmem:v7+s3+$0x0], $0xffff  }
0x31: {  	v25 =	vadd.s32 v0, v10;
	v7 =	vshll.u32 v11, $0x7;
	v11 =	vld.idx.msk [tilespmem:v18+s3+$0x0], $0xffff  }
0x32: {  	v18 =	vadd.s32 v0, v7;
	v7 =	vshll.u32 v13, $0x7;
	v8 =	vld.idx.msk [tilespmem:v8+s8+$0x0], $0xffff  }
0x33: {  	s18 =	simm.s32 $0x5C;
	v24 =	vadd.s32 v0, v7;
	v7 =	vld.idx.msk [tilespmem:v5+s8+$0x0], $0xffff;
	v5 =	vshll.u32 v15, $0x7  }
0x34: {  	s28 =	simm.s32 $0x48;
	s15 =	simm.s32 $0xCC0;
	s16 =	simm.s32 $0x40;
	v22 =	vadd.s32 s18, v1;
	v10 =	vld.idx.msk [tilespmem:v9+s8+$0x0], $0xffff;
	v26 =	vadd.s32 v0, v5  }
0x35: {  	s29 =	simm.s32 $0x50;
	v19 =	vadd.s32 s28, v1;
	v27 =	vshll.u32 v23, $0x7;
	[tilespmem:s15+$0xFFFFFFD0] =	vst v6;
	v13 =	vadd.s32 s16, v2;
	v6 =	vld.idx.msk [tilespmem:v21+s8+$0x0], $0xffff  }
0x36: {  	s17 =	simm.s32 $0x44;
	v23 =	vadd.s32 s29, v1;
	s19 =	simm.s32 $0x4C;
	[tilespmem:s15+$0x30] =	vst v4;
	v4 =	vshll.u32 v16, $0x7;
	v9 =	vshll.u32 v20, $0x7;
	v20 =	vld.idx.msk [tilespmem:v25+s8+$0x0], $0xffff  }
0x37: {  	s30 =	simm.s32 $0x54;
	s31 =	simm.s32 $0x58;
	v14 =	vadd.s32 s17, v1;
	[tilespmem:s15+$0xFFFFFFE0] =	vst v17;
	v17 =	vadd.s32 s19, v1;
	v5 =	vadd.s32 v0, v4;
	v4 =	vld.idx.msk [tilespmem:v18+s8+$0x0], $0xffff  }
0x38: {  	[tilespmem:s15+$0xFFFFFFC0] =	vst v12;
	v21 =	vadd.s32 s30, v1;
	v15 =	vadd.s32 s31, v1;
	v11 =	vshll.u32 v11, $0x7;
	v16 =	vld.idx.msk [tilespmem:v24+s8+$0x0], $0xffff  }
0x39: {  	s18 =	simm.s32 $0x10;
	s17 =	simm.s32 $0xCC0;
	v12 =	vadd.s32 v0, v9;
	v9 =	vadd.s32 v0, v27;
	v11 =	vadd.s32 v0, v11;
	v18 =	vld.idx.msk [tilespmem:v26+s8+$0x0], $0xffff  }
.LBB2_2:
0x3a: {  	v13 =	vld.idx.msk [tilespmem:v13+s3+$0x0], $0xffff;
	[tilespmem:s15+$0xFFFFFFF0] =	vst v7  }
0x3b: {  	v7 =	vld.idx.msk [tilespmem:v22+s3+$0x0], $0xffff;
	[tilespmem:s15+$0x0] =	vst v8  }
0x3c: {  	s15 =	sadd.s32 $0x80, s15;
	v8 =	vld.idx.msk [tilespmem:v14+s3+$0x0], $0xffff;
	[tilespmem:s17+$0x10] =	vst v10  }
0x3d: {  	v10 =	vld.idx.msk [tilespmem:v19+s3+$0x0], $0xffff;
	[tilespmem:s15+$0x30] =	vst v16  }
0x3e: {  	v14 =	vld.idx.msk [tilespmem:v17+s3+$0x0], $0xffff;
	[tilespmem:s15+$0xFFFFFFD0] =	vst v20  }
0x3f: {  	v16 =	vld.idx.msk [tilespmem:v23+s3+$0x0], $0xffff;
	[tilespmem:s15+$0xFFFFFFE0] =	vst v18  }
0x40: {  	v13 =	vshll.u32 v13, $0x7;
	v17 =	vld.idx.msk [tilespmem:v21+s3+$0x0], $0xffff;
	[tilespmem:s17+$0x20] =	vst v6;
	s17 =	smov.u32 s15  }
0x41: {  	v18 =	vadd.s32 v0, v13;
	v6 =	vshll.u32 v7, $0x7;
	v15 =	vld.idx.msk [tilespmem:v15+s3+$0x0], $0xffff;
	[tilespmem:s15+$0xFFFFFFC0] =	vst v3;
	v3 =	vmov v4  }
0x42: {  	v4 =	vshll.u32 v8, $0x7;
	v20 =	vadd.s32 v0, v6;
	v7 =	vld.idx.msk [tilespmem:v5+s8+$0x0], $0xffff  }
0x43: {  	s18 =	sadd.s32 $0x8, s18;
	v24 =	vadd.s32 v0, v4;
	v4 =	vshll.u32 v10, $0x7;
	v8 =	vld.idx.msk [tilespmem:v12+s8+$0x0], $0xffff  }
0x44: {  	s16 =	sadd.s32 $0x20, s16;
	p0 =	slt.u32 s18, $0x318;
	v12 =	vadd.s32 v0, v4;
	v4 =	vshll.u32 v14, $0x7;
	v10 =	vld.idx.msk [tilespmem:v11+s8+$0x0], $0xffff  }
.Ltmp0:
0x45: {  	s19 =	sadd.s32 $0x4, s16;
	s20 =	sadd.s32 $0x1C, s16;
	v13 =	vadd.s32 s16, v2;
	v5 =	vadd.s32 v0, v4;
	v11 =	vshll.u32 v16, $0x7;
	v6 =	vld.idx.msk [tilespmem:v9+s8+$0x0], $0xffff;
	(pc) =	sbr.rel @p0 .LBB2_2-.Ltmp0, $4  }
0x46: {  	s21 =	sadd.s32 $0xC, s16;
	v22 =	vadd.s32 s20, v1;
	v14 =	vadd.s32 s19, v1;
	s19 =	sadd.s32 $0x8, s16;
	v9 =	vshll.u32 v17, $0x7;
	v4 =	vld.idx.msk [tilespmem:v18+s8+$0x0], $0xffff  }
0x47: {  	s20 =	sadd.s32 $0x14, s16;
	v19 =	vadd.s32 s19, v1;
	s19 =	sadd.s32 $0x10, s16;
	v17 =	vadd.s32 s21, v1;
	s21 =	sadd.s32 $0x18, s16;
	v25 =	vshll.u32 v15, $0x7;
	v16 =	vld.idx.msk [tilespmem:v20+s8+$0x0], $0xffff  }
0x48: {  	v21 =	vadd.s32 s20, v1;
	v23 =	vadd.s32 s19, v1;
	v15 =	vadd.s32 s21, v1;
	v20 =	vld.idx.msk [tilespmem:v24+s8+$0x0], $0xffff  }
0x49: {  	v18 =	vld.idx.msk [tilespmem:v12+s8+$0x0], $0xffff;
	v12 =	vadd.s32 v0, v11;
	v11 =	vadd.s32 v0, v9;
	v9 =	vadd.s32 v0, v25  }
0x4a: {  	_ =	sdelay $0x3  }
0x4b: {  	v1 =	vld.idx.msk [tilespmem:v22+s3+$0x0], $0xffff  }
0x4c: {  	v2 =	vld.idx.msk [tilespmem:v14+s3+$0x0], $0xffff  }
0x4d: {  	v13 =	vld.idx.msk [tilespmem:v19+s3+$0x0], $0xffff  }
0x4e: {  	v52 =	vld.idx.msk [tilespmem:v17+s3+$0x0], $0xffff;
	[tilespmem:s15+$0xFFFFFFF0] =	vst v7  }
0x4f: {  	v53 =	vld.idx.msk [tilespmem:v23+s3+$0x0], $0xffff;
	[tilespmem:s15+$0x0] =	vst v8  }
0x50: {  	v54 =	vld.idx.msk [tilespmem:v21+s3+$0x0], $0xffff;
	[tilespmem:s17+$0x10] =	vst v10;
	v1 =	vshll.u32 v1, $0x7  }
0x51: {  	s31 =	sadd.s32 $0x80, s15;
	v55 =	vld.idx.msk [tilespmem:v15+s3+$0x0], $0xffff;
	[tilespmem:s17+$0x20] =	vst v6;
	v2 =	vshll.u32 v2, $0x7;
	v1 =	vadd.s32 v0, v1  }
0x52: {  	v5 =	vld.idx.msk [tilespmem:v5+s8+$0x0], $0xffff;
	[tilespmem:s31+$0xFFFFFFC0] =	vst v3;
	v13 =	vshll.u32 v13, $0x7;
	v2 =	vadd.s32 v0, v2  }
0x53: {  	v12 =	vld.idx.msk [tilespmem:v12+s8+$0x0], $0xffff;
	s16 =	sadd.s32 $0x80, s31;
	[tilespmem:s31+$0x30] =	vst v16;
	v14 =	vshll.u32 v52, $0x7;
	v13 =	vadd.s32 v0, v13  }
0x54: {  	v11 =	vld.idx.msk [tilespmem:v11+s8+$0x0], $0xffff;
	[tilespmem:s16+$0xFFFFFFC0] =	vst v4;
	v7 =	vshll.u32 v53, $0x7;
	v56 =	vadd.s32 v0, v14  }
0x55: {  	v60 =	vld.idx.msk [tilespmem:v9+s8+$0x0], $0xffff;
	[tilespmem:s31+$0xFFFFFFD0] =	vst v20;
	v57 =	vshll.u32 v54, $0x7;
	v7 =	vadd.s32 v0, v7  }
0x56: {  	[tilespmem:s31+$0xFFFFFFE0] =	vst v18;
	v58 =	vshll.u32 v55, $0x7;
	v3 =	vadd.s32 v0, v57;
	v1 =	vld.idx.msk [tilespmem:v1+s8+$0x0], $0xffff  }
0x57: {  	[tilespmem:s31+$0xFFFFFFF0] =	vst v5;
	v61 =	vadd.s32 v0, v58;
	v2 =	vld.idx.msk [tilespmem:v2+s8+$0x0], $0xffff  }
0x58: {  	[tilespmem:s31+$0x0] =	vst v12;
	v59 =	vld.idx.msk [tilespmem:v13+s8+$0x0], $0xffff  }
0x59: {  	[tilespmem:s31+$0x10] =	vst v11;
	v62 =	vld.idx.msk [tilespmem:v56+s8+$0x0], $0xffff  }
0x5a: {  	[tilespmem:s31+$0x20] =	vst v60;
	v63 =	vld.idx.msk [tilespmem:v7+s8+$0x0], $0xffff  }
0x5b: {  	v3 =	vld.idx.msk [tilespmem:v3+s8+$0x0], $0xffff;
	[tilespmem:s16+$0x30] =	vst v1  }
0x5c: {  	v0 =	vld.idx.msk [tilespmem:v61+s8+$0x0], $0xffff;
	[tilespmem:s16+$0xFFFFFFD0] =	vst v2  }
0x5d: {  	[tilespmem:s16+$0xFFFFFFE0] =	vst v59  }
0x5e: {  	[tilespmem:s16+$0xFFFFFFF0] =	vst v62  }
0x5f: {  	s14 =	sadd.s32 $0x1, s14;
	[tilespmem:s16+$0x0] =	vst v63  }
0x60: {  	p0 =	sne.s32 s14, s7;
	[tilespmem:s16+$0x10] =	vst v3  }
.Ltmp1:
0x61: {  	[tilespmem:s16+$0x20] =	vst v0;
	(pc) =	sbr.rel @p0 .LBB2_1-.Ltmp1, $4  }
0x62: {  	[hbm4b:s6+s3] =	stream.linear.scatter [tilespmem:s12], [sflag:$0x2], $0x3200, $0x38;
	[tilespmem:$0x4100] =	vst v63  }
0x63: {  	_ =	swait.ge [sflag:s13], $0x3200  }
0x64: {  	[sflag:s13] =	ssyncset.done $0x0  }
0x65: {  	[sflag:s13] =	ssyncadd.s32 $0xFFFFCE00  }
0x66: {  	_ =	sfence.sel $0x180000  }
0x67: {  	[bflag:$0x0] =	sbarrier.arrive $0xFFFF  }
0x68: {  	p0 =	sne.s32 s0, $0x0;
	_ =	strace $0x90000047  }
0x69: {  	s0 =	sadd.s32 @!p0 $0x100000, s1;
	[bflag:$0x2] =	sbarrier.arrive $0xFFFF  }
0x6a: {  	[sflag:s0] =	ssyncadd.tile.s32 @!p0 $0x1;
	_ =	shalt  }
.Lfunc_end2:
_tile_overlayer_lowered:
.L_overlay_start_2:
0x6b: {  	(tag) =	ssettag $0x2  }
0x6c: {  	s0 =	rddreg [dreg:$0x0];
	s2 =	stileid.u32  }
0x6d: {  	s1 =	rddreg [dreg:$0x1];
	p0 =	sne.s32 s2, $0x0  }
0x6e: {  	s3 =	rddreg [dreg:$0x2];
	[bflag:$0x3] =	sbarrier.arrive $0xFFFF;
	s2 =	simm.s32 @!p0 $0x1C03  }
0x6f: {  	[timem:s3], [sflag:s2] =	dma.local @!p0 [hbm:s0], s1  }
0x70: {  	s0 =	simm.s32 @!p0 $0x3  }
0x71: {  	_ =	swait.ge @!p0 [sflag:s0], s1  }
0x72: {  	s1 =	ssub.s32 @!p0 $0x0, s1;
	[sflag:s0] =	ssyncset.done @!p0 $0x0  }
0x73: {  	[sflag:s0] =	ssyncadd.s32 @!p0 s1  }
0x74: {  	[bflag:$0x3] =	sbarrier.arrive $0xFFFF  }
0x75: {  	_ =	shalt  }

</sc_bundles>
